<compile_context>
chip_gen: v7x
topology: tpu7x:2x2x1
jax: 0.10.2.dev20260603
libtpu: 0.0.44.dev20260713+nightly
codegen_flags: <defaults>
</compile_context>

<pallas_src>
import jax
import jax.numpy as jnp
from jax import lax
from jax.experimental import pallas as pl
from jax.experimental.pallas import tpu as pltpu
from jax.experimental.pallas import tpu_sc as plsc

N = 2048
D = 64
K = 3
_BIG = 3.4e38

_NC = 2
_NS = 16
_NW = _NC * _NS
_E = N * K
_CPW = N // _NW


def _ln(x, w, b):
    m = x.mean(-1, keepdims=True)
    v = ((x - m) ** 2).mean(-1, keepdims=True)
    return (x - m) * jax.lax.rsqrt(v + 1e-5) * w + b


def _ln_knn_body(feat_ref, pos_ref, post_ref, n1w_ref, n1b_ref, n2w_ref,
                 n2b_ref, x2_ref, xn_ref, i0_ref, i1_ref, i2_ref):
    f32 = jnp.float32
    x1 = _ln(feat_ref[...], n1w_ref[...], n1b_ref[...])
    x2 = _ln(x1 + x1, n2w_ref[...], n2b_ref[...])
    x2_ref[...] = x2
    inv_norm = jax.lax.rsqrt(jnp.maximum(
        jnp.sum(x2 * x2, axis=1, keepdims=True), 1e-16))
    xn_ref[:, 0:D] = x2 * inv_norm
    xn_ref[:, D:2 * D] = jnp.zeros((N, D), jnp.float32)

    pos = pos_ref[...]
    post = post_ref[...]
    dot = jax.lax.dot_general(pos, post, (((1,), (0,)), ((), ())),
                              preferred_element_type=f32)
    sq_r = jnp.sum(pos * pos, axis=1, keepdims=True)
    sq_c = jnp.sum(post * post, axis=0, keepdims=True)
    key = sq_r + sq_c - 2.0 * dot
    rows = jax.lax.broadcasted_iota(jnp.int32, (N, N), 0)
    cols = jax.lax.broadcasted_iota(jnp.int32, (N, N), 1)
    key = jnp.where(rows == cols, _BIG, key)

    for out_ref in (i0_ref, i1_ref, i2_ref):
        m = jnp.min(key, axis=1, keepdims=True)
        am = jnp.min(jnp.where(key == m, cols, N), axis=1, keepdims=True)
        out_ref[...] = am
        key = jnp.where(cols == am, _BIG, key)


def _sc_gather_body(table_hbm, i0_hbm, i1_hbm, i2_hbm, out_hbm, idx_v,
                    rows_v, sem):
    wid = lax.axis_index("s") * _NC + lax.axis_index("c")
    base = wid * _CPW
    for j, i_hbm in enumerate((i0_hbm, i1_hbm, i2_hbm)):
        pltpu.sync_copy(i_hbm.at[pl.ds(base, _CPW)], idx_v)
        pltpu.async_copy(table_hbm.at[idx_v], rows_v, sem).wait()
        pltpu.sync_copy(rows_v, out_hbm.at[pl.ds(j * N + base, _CPW)])


def _sc_gather(table, i0, i1, i2):
    mesh = plsc.VectorSubcoreMesh(core_axis_name="c", subcore_axis_name="s")
    kern = pl.kernel(
        _sc_gather_body,
        mesh=mesh,
        out_type=jax.ShapeDtypeStruct((_E, 2 * D), jnp.float32),
        scratch_types=[
            pltpu.VMEM((_CPW,), jnp.int32),
            pltpu.VMEM((_CPW, 2 * D), jnp.float32),
            pltpu.SemaphoreType.DMA,
        ],
    )
    return kern(table, i0.reshape(N), i1.reshape(N), i2.reshape(N))


def _gcn_body(x2_ref, xn_ref, gath_ref, i0_ref, i1_ref, i2_ref, w1_ref,
              b1_ref, lnw_ref, lnb_ref, w2_ref, b2_ref, out_ref):
    f32 = jnp.float32
    bf16 = jnp.bfloat16
    x2 = x2_ref[...]
    xn = xn_ref[:, 0:D]

    sims = []
    for j in range(K):
        g = gath_ref[j * N:(j + 1) * N, 0:D]
        sims.append(jax.nn.sigmoid(
            jnp.sum(xn * g, axis=1, keepdims=True)))
    deg = sims[0] + sims[1] + sims[2]

    cols = jax.lax.broadcasted_iota(jnp.int32, (N, N), 1)
    adj = (jnp.where(cols == i0_ref[...], sims[0], 0.0)
           + jnp.where(cols == i1_ref[...], sims[1], 0.0)
           + jnp.where(cols == i2_ref[...], sims[2], 0.0)).astype(bf16)

    dis1 = jax.lax.rsqrt(deg + 3.0)
    h1 = jax.lax.dot_general(x2, w1_ref[...], (((1,), (0,)), ((), ())),
                             preferred_element_type=f32)
    agg1 = jax.lax.dot_general(adj, (dis1 * h1).astype(bf16),
                               (((1,), (0,)), ((), ())),
                               preferred_element_type=f32)
    out1 = dis1 * agg1 + 3.0 * dis1 * dis1 * h1 + b1_ref[...]
    y = jax.nn.relu(_ln(out1, lnw_ref[...], lnb_ref[...]))

    dis2 = jax.lax.rsqrt(deg + 2.0)
    h2 = jax.lax.dot_general(y, w2_ref[...], (((1,), (0,)), ((), ())),
                             preferred_element_type=f32)
    agg2 = jax.lax.dot_general(adj, (dis2 * h2).astype(bf16),
                               (((1,), (0,)), ((), ())),
                               preferred_element_type=f32)
    out2 = dis2 * agg2 + 2.0 * dis2 * dis2 * h2 + b2_ref[...]

    out_ref[...] = x2 + x2 + out2


def kernel(sp_center_feat, edge_index_tran, edge_attr_rpe, norm_index,
           sp_crood, norm1_w, norm1_b, norm2_w, norm2_b, W1, b1, ln_w, ln_b,
           W2, b2):
    del edge_index_tran, edge_attr_rpe, norm_index
    pos = jnp.zeros((N, 8), jnp.float32).at[:, :3].set(sp_crood)
    post = pos.T
    row = lambda v: v.reshape(1, D)

    x2, xn, i0, i1, i2 = pl.pallas_call(
        _ln_knn_body,
        out_shape=(
            jax.ShapeDtypeStruct((N, D), jnp.float32),
            jax.ShapeDtypeStruct((N, 2 * D), jnp.float32),
            jax.ShapeDtypeStruct((N, 1), jnp.int32),
            jax.ShapeDtypeStruct((N, 1), jnp.int32),
            jax.ShapeDtypeStruct((N, 1), jnp.int32),
        ),
    )(sp_center_feat, pos, post, row(norm1_w), row(norm1_b), row(norm2_w),
      row(norm2_b))

    gathered = _sc_gather(xn, i0, i1, i2)
    return gathered

    return pl.pallas_call(
        _gcn_body,
        out_shape=jax.ShapeDtypeStruct((N, D), jnp.float32),
    )(x2, xn, gathered, i0, i1, i2, W1, row(b1), row(ln_w), row(ln_b), W2,
      row(b2))

# --- scband reference (transcript-rebuilt; emitter-appended) ---
"""Pipeline reference for scband-superpoint-graph-module-7146825581108 (READ-ONLY COPY).

The authoritative reference and input builder live on the scoring server;
editing this copy changes nothing except your own understanding.
"""

import jax, jax.numpy as jnp
import numpy as np

N = 2048
D = 64
K = 3

def layer_norm(x, w, b):
    m = x.mean(-1, keepdims=True)
    v = ((x - m) ** 2).mean(-1, keepdims=True)
    return (x - m) / jnp.sqrt(v + 1e-5) * w + b

def gcn_conv(x, row, col, ew, W, b, fill):
    # PyG GCNConv: gcn_norm re-adds self loops (fill=2.0 if improved else 1.0)
    n = x.shape[0]
    loop = jnp.arange(n)
    row2 = jnp.concatenate([row, loop])
    col2 = jnp.concatenate([col, loop])
    ew2 = jnp.concatenate([ew, jnp.full((n,), fill, x.dtype)])
    deg = jax.ops.segment_sum(ew2, col2, num_segments=n)
    dis = jnp.where(deg > 0, 1.0 / jnp.sqrt(jnp.maximum(deg, 1e-12)), 0.0)
    norm = dis[row2] * ew2 * dis[col2]
    h = x @ W
    out = jax.ops.segment_sum(norm[:, None] * h[row2], col2, num_segments=n)
    return out + b

def knn_edges(pos, k):
    n = pos.shape[0]
    sq = jnp.sum(pos * pos, axis=1)
    d2 = sq[:, None] + sq[None, :] - 2.0 * (pos @ pos.T)
    d2 = jnp.where(jnp.eye(n, dtype=bool), jnp.inf, d2)
    _, idx = jax.lax.top_k(-d2, k)
    src = idx.reshape(-1)
    dst = jnp.repeat(jnp.arange(n), k)
    return src, dst

def forward_core(sp_center_feat, sp_crood, norm1_w, norm1_b, norm2_w, norm2_b, W1, b1, ln_w, ln_b, W2, b2):
    x = layer_norm(sp_center_feat, norm1_w, norm1_b)
    shortcut = x
    x = x  # SPgrah treated as identity (definition not provided)
    x = x + shortcut
    x = layer_norm(x, norm2_w, norm2_b)
    shortcut = x
    src, dst = knn_edges(sp_crood, K)
    a = x[src]
    bt = x[dst]
    num = jnp.sum(a * bt, axis=-1)
    den = jnp.maximum(jnp.linalg.norm(a, axis=-1) * jnp.linalg.norm(bt, axis=-1), 1e-8)
    sim = jax.nn.sigmoid(num / den)
    # SuperpointGCN: add_self_loops(fill_value=1.0) on knn graph with edge_attr=sim
    n = x.shape[0]
    loop = jnp.arange(n)
    row = jnp.concatenate([src, loop])
    col = jnp.concatenate([dst, loop])
    ew = jnp.concatenate([sim, jnp.ones((n,), x.dtype)])
    residual = x
    h = gcn_conv(x, row, col, ew, W1, b1, 2.0)  # improved=True
    h = layer_norm(h, ln_w, ln_b)
    h = jax.nn.relu(h)
    h = gcn_conv(h, row, col, ew, W2, b2, 1.0)  # improved=False
    h = h + residual
    return shortcut + h

def setup_inputs(seed: int = 0):
    key = jax.random.key(seed)
    ks = jax.random.split(key, 8)
    return {
        'sp_center_feat': jax.random.normal(ks[0], (N, D), jnp.float32),
        'edge_index_tran': jax.random.randint(ks[1], (2, 16384), 0, N),
        'edge_attr_rpe': jax.random.normal(ks[2], (16384, 16), jnp.float32),
        'norm_index': jax.random.randint(ks[3], (2, N), 0, N),
        'sp_crood': jax.random.normal(ks[4], (N, 3), jnp.float32),
        'norm1_w': jnp.ones((D,), jnp.float32),
        'norm1_b': jnp.zeros((D,), jnp.float32),
        'norm2_w': jnp.ones((D,), jnp.float32),
        'norm2_b': jnp.zeros((D,), jnp.float32),
        'W1': jax.random.normal(ks[5], (D, D), jnp.float32) / jnp.sqrt(D),
        'b1': jnp.zeros((D,), jnp.float32),
        'ln_w': jnp.ones((D,), jnp.float32),
        'ln_b': jnp.zeros((D,), jnp.float32),
        'W2': jax.random.normal(ks[6], (D, D), jnp.float32) / jnp.sqrt(D),
        'b2': jnp.zeros((D,), jnp.float32),
    }

def reference(sp_center_feat, edge_index_tran, edge_attr_rpe, norm_index, sp_crood, norm1_w, norm1_b, norm2_w, norm2_b, W1, b1, ln_w, ln_b, W2, b2):
    return forward_core(sp_center_feat, sp_crood, norm1_w, norm1_b, norm2_w, norm2_b, W1, b1, ln_w, ln_b, W2, b2)

if __name__ == "__main__":
    import jax
    _d = setup_inputs()
    print(jax.jit(kernel)(*tuple(_d.values())))

</pallas_src>

<mosaic_0001>
#map = affine_map<(d0, d1) -> (0, 0)>
#map1 = affine_map<(d0, d1) -> (0)>
module attributes {stable_mosaic.version = 14 : i64} {
  func.func @_sc_gather_body(%arg0: i32, %arg1: i32, %arg2: memref<2048x128xf32, #tpu.memory_space<hbm>>, %arg3: memref<2048xi32, #tpu.memory_space<hbm>>, %arg4: memref<2048xi32, #tpu.memory_space<hbm>>, %arg5: memref<2048xi32, #tpu.memory_space<hbm>>, %arg6: memref<6144x128xf32, #tpu.memory_space<hbm>>, %arg7: memref<64xi32, #tpu.memory_space<vmem>>, %arg8: memref<64x128xf32, #tpu.memory_space<vmem>>, %arg9: memref<!tpu.dma_semaphore, #tpu.memory_space<semaphore_mem>>) attributes {dimension_semantics = [#tpu.dimension_semantics<core_parallel>, #tpu.dimension_semantics<subcore_parallel>], iteration_bounds = array<i64: 2, 16>, scalar_prefetch = 0 : i64, scratch_operands = 3 : i64, tpu.core_type = #tpu.core_type<sc_vector_subcore>, window_params = [{transform_indices = #map}, {transform_indices = #map1}, {transform_indices = #map1}, {transform_indices = #map1}, {transform_indices = #map}]} {
    %mul3A = arith.constant 2 : i32
    %mul3A_0 = arith.muli %arg1, %mul3A : i32
    %add3A = arith.addi %mul3A_0, %arg0 : i32
    %mul3A_1 = arith.constant 64 : i32
    %mul3A_2 = arith.muli %add3A, %mul3A_1 : i32
    "tpu.region"() ({
      %run_scoped3A = tpu.sem_alloc : memref<!tpu.dma_semaphore, #tpu.memory_space<semaphore_mem>>
      %dma_start3A_25 = tpu.memref_slice %arg3[%mul3A_2] : memref<2048xi32, #tpu.memory_space<hbm>> -> memref<64xi32, #tpu.memory_space<hbm>>
      %dma_start3A_26 = tpu.memref_slice %arg3[%mul3A_2] : memref<2048xi32, #tpu.memory_space<hbm>> -> memref<64xi32, #tpu.memory_space<hbm>>
      tpu.enqueue_dma source(%dma_start3A_26 : memref<64xi32, #tpu.memory_space<hbm>>) target(%arg7 : memref<64xi32, #tpu.memory_space<vmem>>) target_semaphore(%run_scoped3A : memref<!tpu.dma_semaphore, #tpu.memory_space<semaphore_mem>>)
      %dma_wait3A_27 = tpu.memref_slice %arg3[%mul3A_2] : memref<2048xi32, #tpu.memory_space<hbm>> -> memref<64xi32, #tpu.memory_space<hbm>>
      %dma_wait3A_28 = tpu.memref_slice %arg3[%mul3A_2] : memref<2048xi32, #tpu.memory_space<hbm>> -> memref<64xi32, #tpu.memory_space<hbm>>
      tpu.wait_dma2 semaphore(%run_scoped3A : memref<!tpu.dma_semaphore, #tpu.memory_space<semaphore_mem>>) src(%dma_wait3A_28 : memref<64xi32, #tpu.memory_space<hbm>>) dst(%arg7 : memref<64xi32, #tpu.memory_space<vmem>>)
      tpu.yield
    }) : () -> ()
    %dma_start3A = arith.constant 0 : i32
    %dma_start3A_3 = arith.constant 0 : i32
    %dma_start3A_4 = tpu.memref_slice %arg2[%dma_start3A, %dma_start3A_3] : memref<2048x128xf32, #tpu.memory_space<hbm>> -> memref<2048x128xf32, #tpu.memory_space<hbm>>
    tpu.enqueue_indirect_dma source(%dma_start3A_4 : memref<2048x128xf32, #tpu.memory_space<hbm>>) target(%arg8 : memref<64x128xf32, #tpu.memory_space<vmem>>) offsets(%arg7 : memref<64xi32, #tpu.memory_space<vmem>>) semaphore(%arg9 : memref<!tpu.dma_semaphore, #tpu.memory_space<semaphore_mem>>)
    %dma_wait3A = arith.constant 0 : i32
    %dma_wait3A_5 = arith.constant 0 : i32
    %dma_wait3A_6 = tpu.memref_slice %arg2[%dma_wait3A, %dma_wait3A_5] : memref<2048x128xf32, #tpu.memory_space<hbm>> -> memref<2048x128xf32, #tpu.memory_space<hbm>>
    tpu.wait_indirect_dma semaphore(%arg9 : memref<!tpu.dma_semaphore, #tpu.memory_space<semaphore_mem>>) src(%dma_wait3A_6 : memref<2048x128xf32, #tpu.memory_space<hbm>>) dst(%arg8 : memref<64x128xf32, #tpu.memory_space<vmem>>)
    %add3A_7 = arith.constant 0 : i32
    %add3A_8 = arith.addi %add3A_7, %mul3A_2 : i32
    "tpu.region"() ({
      %run_scoped3A = tpu.sem_alloc : memref<!tpu.dma_semaphore, #tpu.memory_space<semaphore_mem>>
      %dma_start3A_25 = arith.constant 0 : i32
      %dma_start3A_26 = tpu.memref_slice %arg6[%add3A_8, %dma_start3A_25] : memref<6144x128xf32, #tpu.memory_space<hbm>> -> memref<64x128xf32, #tpu.memory_space<hbm>>
      %dma_start3A_27 = arith.constant 0 : i32
      %dma_start3A_28 = tpu.memref_slice %arg6[%add3A_8, %dma_start3A_27] : memref<6144x128xf32, #tpu.memory_space<hbm>> -> memref<64x128xf32, #tpu.memory_space<hbm>>
      tpu.enqueue_dma source(%arg8 : memref<64x128xf32, #tpu.memory_space<vmem>>) target(%dma_start3A_28 : memref<64x128xf32, #tpu.memory_space<hbm>>) target_semaphore(%run_scoped3A : memref<!tpu.dma_semaphore, #tpu.memory_space<semaphore_mem>>)
      %dma_wait3A_29 = arith.constant 0 : i32
      %dma_wait3A_30 = tpu.memref_slice %arg6[%add3A_8, %dma_wait3A_29] : memref<6144x128xf32, #tpu.memory_space<hbm>> -> memref<64x128xf32, #tpu.memory_space<hbm>>
      %dma_wait3A_31 = arith.constant 0 : i32
      %dma_wait3A_32 = tpu.memref_slice %arg6[%add3A_8, %dma_wait3A_31] : memref<6144x128xf32, #tpu.memory_space<hbm>> -> memref<64x128xf32, #tpu.memory_space<hbm>>
      tpu.wait_dma2 semaphore(%run_scoped3A : memref<!tpu.dma_semaphore, #tpu.memory_space<semaphore_mem>>) src(%arg8 : memref<64x128xf32, #tpu.memory_space<vmem>>) dst(%dma_wait3A_32 : memref<64x128xf32, #tpu.memory_space<hbm>>)
      tpu.yield
    }) : () -> ()
    "tpu.region"() ({
      %run_scoped3A = tpu.sem_alloc : memref<!tpu.dma_semaphore, #tpu.memory_space<semaphore_mem>>
      %dma_start3A_25 = tpu.memref_slice %arg4[%mul3A_2] : memref<2048xi32, #tpu.memory_space<hbm>> -> memref<64xi32, #tpu.memory_space<hbm>>
      %dma_start3A_26 = tpu.memref_slice %arg4[%mul3A_2] : memref<2048xi32, #tpu.memory_space<hbm>> -> memref<64xi32, #tpu.memory_space<hbm>>
      tpu.enqueue_dma source(%dma_start3A_26 : memref<64xi32, #tpu.memory_space<hbm>>) target(%arg7 : memref<64xi32, #tpu.memory_space<vmem>>) target_semaphore(%run_scoped3A : memref<!tpu.dma_semaphore, #tpu.memory_space<semaphore_mem>>)
      %dma_wait3A_27 = tpu.memref_slice %arg4[%mul3A_2] : memref<2048xi32, #tpu.memory_space<hbm>> -> memref<64xi32, #tpu.memory_space<hbm>>
      %dma_wait3A_28 = tpu.memref_slice %arg4[%mul3A_2] : memref<2048xi32, #tpu.memory_space<hbm>> -> memref<64xi32, #tpu.memory_space<hbm>>
      tpu.wait_dma2 semaphore(%run_scoped3A : memref<!tpu.dma_semaphore, #tpu.memory_space<semaphore_mem>>) src(%dma_wait3A_28 : memref<64xi32, #tpu.memory_space<hbm>>) dst(%arg7 : memref<64xi32, #tpu.memory_space<vmem>>)
      tpu.yield
    }) : () -> ()
    %dma_start3A_9 = arith.constant 0 : i32
    %dma_start3A_10 = arith.constant 0 : i32
    %dma_start3A_11 = tpu.memref_slice %arg2[%dma_start3A_9, %dma_start3A_10] : memref<2048x128xf32, #tpu.memory_space<hbm>> -> memref<2048x128xf32, #tpu.memory_space<hbm>>
    tpu.enqueue_indirect_dma source(%dma_start3A_11 : memref<2048x128xf32, #tpu.memory_space<hbm>>) target(%arg8 : memref<64x128xf32, #tpu.memory_space<vmem>>) offsets(%arg7 : memref<64xi32, #tpu.memory_space<vmem>>) semaphore(%arg9 : memref<!tpu.dma_semaphore, #tpu.memory_space<semaphore_mem>>)
    %dma_wait3A_12 = arith.constant 0 : i32
    %dma_wait3A_13 = arith.constant 0 : i32
    %dma_wait3A_14 = tpu.memref_slice %arg2[%dma_wait3A_12, %dma_wait3A_13] : memref<2048x128xf32, #tpu.memory_space<hbm>> -> memref<2048x128xf32, #tpu.memory_space<hbm>>
    tpu.wait_indirect_dma semaphore(%arg9 : memref<!tpu.dma_semaphore, #tpu.memory_space<semaphore_mem>>) src(%dma_wait3A_14 : memref<2048x128xf32, #tpu.memory_space<hbm>>) dst(%arg8 : memref<64x128xf32, #tpu.memory_space<vmem>>)
    %add3A_15 = arith.constant 2048 : i32
    %add3A_16 = arith.addi %add3A_15, %mul3A_2 : i32
    "tpu.region"() ({
      %run_scoped3A = tpu.sem_alloc : memref<!tpu.dma_semaphore, #tpu.memory_space<semaphore_mem>>
      %dma_start3A_25 = arith.constant 0 : i32
      %dma_start3A_26 = tpu.memref_slice %arg6[%add3A_16, %dma_start3A_25] : memref<6144x128xf32, #tpu.memory_space<hbm>> -> memref<64x128xf32, #tpu.memory_space<hbm>>
      %dma_start3A_27 = arith.constant 0 : i32
      %dma_start3A_28 = tpu.memref_slice %arg6[%add3A_16, %dma_start3A_27] : memref<6144x128xf32, #tpu.memory_space<hbm>> -> memref<64x128xf32, #tpu.memory_space<hbm>>
      tpu.enqueue_dma source(%arg8 : memref<64x128xf32, #tpu.memory_space<vmem>>) target(%dma_start3A_28 : memref<64x128xf32, #tpu.memory_space<hbm>>) target_semaphore(%run_scoped3A : memref<!tpu.dma_semaphore, #tpu.memory_space<semaphore_mem>>)
      %dma_wait3A_29 = arith.constant 0 : i32
      %dma_wait3A_30 = tpu.memref_slice %arg6[%add3A_16, %dma_wait3A_29] : memref<6144x128xf32, #tpu.memory_space<hbm>> -> memref<64x128xf32, #tpu.memory_space<hbm>>
      %dma_wait3A_31 = arith.constant 0 : i32
      %dma_wait3A_32 = tpu.memref_slice %arg6[%add3A_16, %dma_wait3A_31] : memref<6144x128xf32, #tpu.memory_space<hbm>> -> memref<64x128xf32, #tpu.memory_space<hbm>>
      tpu.wait_dma2 semaphore(%run_scoped3A : memref<!tpu.dma_semaphore, #tpu.memory_space<semaphore_mem>>) src(%arg8 : memref<64x128xf32, #tpu.memory_space<vmem>>) dst(%dma_wait3A_32 : memref<64x128xf32, #tpu.memory_space<hbm>>)
      tpu.yield
    }) : () -> ()
    "tpu.region"() ({
      %run_scoped3A = tpu.sem_alloc : memref<!tpu.dma_semaphore, #tpu.memory_space<semaphore_mem>>
      %dma_start3A_25 = tpu.memref_slice %arg5[%mul3A_2] : memref<2048xi32, #tpu.memory_space<hbm>> -> memref<64xi32, #tpu.memory_space<hbm>>
      %dma_start3A_26 = tpu.memref_slice %arg5[%mul3A_2] : memref<2048xi32, #tpu.memory_space<hbm>> -> memref<64xi32, #tpu.memory_space<hbm>>
      tpu.enqueue_dma source(%dma_start3A_26 : memref<64xi32, #tpu.memory_space<hbm>>) target(%arg7 : memref<64xi32, #tpu.memory_space<vmem>>) target_semaphore(%run_scoped3A : memref<!tpu.dma_semaphore, #tpu.memory_space<semaphore_mem>>)
      %dma_wait3A_27 = tpu.memref_slice %arg5[%mul3A_2] : memref<2048xi32, #tpu.memory_space<hbm>> -> memref<64xi32, #tpu.memory_space<hbm>>
      %dma_wait3A_28 = tpu.memref_slice %arg5[%mul3A_2] : memref<2048xi32, #tpu.memory_space<hbm>> -> memref<64xi32, #tpu.memory_space<hbm>>
      tpu.wait_dma2 semaphore(%run_scoped3A : memref<!tpu.dma_semaphore, #tpu.memory_space<semaphore_mem>>) src(%dma_wait3A_28 : memref<64xi32, #tpu.memory_space<hbm>>) dst(%arg7 : memref<64xi32, #tpu.memory_space<vmem>>)
      tpu.yield
    }) : () -> ()
    %dma_start3A_17 = arith.constant 0 : i32
    %dma_start3A_18 = arith.constant 0 : i32
    %dma_start3A_19 = tpu.memref_slice %arg2[%dma_start3A_17, %dma_start3A_18] : memref<2048x128xf32, #tpu.memory_space<hbm>> -> memref<2048x128xf32, #tpu.memory_space<hbm>>
    tpu.enqueue_indirect_dma source(%dma_start3A_19 : memref<2048x128xf32, #tpu.memory_space<hbm>>) target(%arg8 : memref<64x128xf32, #tpu.memory_space<vmem>>) offsets(%arg7 : memref<64xi32, #tpu.memory_space<vmem>>) semaphore(%arg9 : memref<!tpu.dma_semaphore, #tpu.memory_space<semaphore_mem>>)
    %dma_wait3A_20 = arith.constant 0 : i32
    %dma_wait3A_21 = arith.constant 0 : i32
    %dma_wait3A_22 = tpu.memref_slice %arg2[%dma_wait3A_20, %dma_wait3A_21] : memref<2048x128xf32, #tpu.memory_space<hbm>> -> memref<2048x128xf32, #tpu.memory_space<hbm>>
    tpu.wait_indirect_dma semaphore(%arg9 : memref<!tpu.dma_semaphore, #tpu.memory_space<semaphore_mem>>) src(%dma_wait3A_22 : memref<2048x128xf32, #tpu.memory_space<hbm>>) dst(%arg8 : memref<64x128xf32, #tpu.memory_space<vmem>>)
    %add3A_23 = arith.constant 4096 : i32
    %add3A_24 = arith.addi %add3A_23, %mul3A_2 : i32
    "tpu.region"() ({
      %run_scoped3A = tpu.sem_alloc : memref<!tpu.dma_semaphore, #tpu.memory_space<semaphore_mem>>
      %dma_start3A_25 = arith.constant 0 : i32
      %dma_start3A_26 = tpu.memref_slice %arg6[%add3A_24, %dma_start3A_25] : memref<6144x128xf32, #tpu.memory_space<hbm>> -> memref<64x128xf32, #tpu.memory_space<hbm>>
      %dma_start3A_27 = arith.constant 0 : i32
      %dma_start3A_28 = tpu.memref_slice %arg6[%add3A_24, %dma_start3A_27] : memref<6144x128xf32, #tpu.memory_space<hbm>> -> memref<64x128xf32, #tpu.memory_space<hbm>>
      tpu.enqueue_dma source(%arg8 : memref<64x128xf32, #tpu.memory_space<vmem>>) target(%dma_start3A_28 : memref<64x128xf32, #tpu.memory_space<hbm>>) target_semaphore(%run_scoped3A : memref<!tpu.dma_semaphore, #tpu.memory_space<semaphore_mem>>)
      %dma_wait3A_29 = arith.constant 0 : i32
      %dma_wait3A_30 = tpu.memref_slice %arg6[%add3A_24, %dma_wait3A_29] : memref<6144x128xf32, #tpu.memory_space<hbm>> -> memref<64x128xf32, #tpu.memory_space<hbm>>
      %dma_wait3A_31 = arith.constant 0 : i32
      %dma_wait3A_32 = tpu.memref_slice %arg6[%add3A_24, %dma_wait3A_31] : memref<6144x128xf32, #tpu.memory_space<hbm>> -> memref<64x128xf32, #tpu.memory_space<hbm>>
      tpu.wait_dma2 semaphore(%run_scoped3A : memref<!tpu.dma_semaphore, #tpu.memory_space<semaphore_mem>>) src(%arg8 : memref<64x128xf32, #tpu.memory_space<vmem>>) dst(%dma_wait3A_32 : memref<64x128xf32, #tpu.memory_space<hbm>>)
      tpu.yield
    }) : () -> ()
    return
  }
}

module attributes {stable_mosaic.version = 14 : i64} {
  func.func @_ln_knn_body(%arg0: memref<2048x64xf32, #tpu.memory_space<vmem>>, %arg1: memref<2048x8xf32, #tpu.memory_space<vmem>>, %arg2: memref<8x2048xf32, #tpu.memory_space<vmem>>, %arg3: memref<1x64xf32, #tpu.memory_space<vmem>>, %arg4: memref<1x64xf32, #tpu.memory_space<vmem>>, %arg5: memref<1x64xf32, #tpu.memory_space<vmem>>, %arg6: memref<1x64xf32, #tpu.memory_space<vmem>>, %arg7: memref<2048x64xf32, #tpu.memory_space<vmem>>, %arg8: memref<2048x128xf32, #tpu.memory_space<vmem>>, %arg9: memref<2048x1xi32, #tpu.memory_space<vmem>>, %arg10: memref<2048x1xi32, #tpu.memory_space<vmem>>, %arg11: memref<2048x1xi32, #tpu.memory_space<vmem>>) attributes {dimension_semantics = [], scalar_prefetch = 0 : i64, scratch_operands = 0 : i64, tpu.core_type = #tpu.core_type<tc>} {
    %get3A = arith.constant 0 : index
    %get3A_0 = arith.constant 0 : index
    %get3A_1 = vector.load %arg0[%get3A, %get3A_0] : memref<2048x64xf32, #tpu.memory_space<vmem>>, vector<2048x64xf32>
    %get3A_2 = arith.constant 0 : index
    %get3A_3 = arith.constant 0 : index
    %get3A_4 = vector.load %arg3[%get3A_2, %get3A_3] : memref<1x64xf32, #tpu.memory_space<vmem>>, vector<1x64xf32>
    %get3A_5 = arith.constant 0 : index
    %get3A_6 = arith.constant 0 : index
    %get3A_7 = vector.load %arg4[%get3A_5, %get3A_6] : memref<1x64xf32, #tpu.memory_space<vmem>>, vector<1x64xf32>
    %reduce_sum3A = arith.constant dense<0.000000e+00> : vector<2048xf32>
    %reduce_sum3A_8 = vector.multi_reduction <add>, %get3A_1, %reduce_sum3A [1] : vector<2048x64xf32> to vector<2048xf32>
    %broadcast_in_dim3A = vector.shape_cast %reduce_sum3A_8 : vector<2048xf32> to vector<2048x1xf32>
    %div3A = arith.constant 6.400000e+01 : f32
    %div3A_9 = vector.broadcast %div3A : f32 to vector<2048x1xf32>
    %div3A_10 = arith.divf %broadcast_in_dim3A, %div3A_9 : vector<2048x1xf32>
    %sub3A = vector.broadcast %div3A_10 : vector<2048x1xf32> to vector<2048x64xf32>
    %sub3A_11 = arith.subf %get3A_1, %sub3A : vector<2048x64xf32>
    %integer_pow3A = arith.mulf %sub3A_11, %sub3A_11 : vector<2048x64xf32>
    %reduce_sum3A_12 = arith.constant dense<0.000000e+00> : vector<2048xf32>
    %reduce_sum3A_13 = vector.multi_reduction <add>, %integer_pow3A, %reduce_sum3A_12 [1] : vector<2048x64xf32> to vector<2048xf32>
    %broadcast_in_dim3A_14 = vector.shape_cast %reduce_sum3A_13 : vector<2048xf32> to vector<2048x1xf32>
    %div3A_15 = arith.constant 6.400000e+01 : f32
    %div3A_16 = vector.broadcast %div3A_15 : f32 to vector<2048x1xf32>
    %div3A_17 = arith.divf %broadcast_in_dim3A_14, %div3A_16 : vector<2048x1xf32>
    %sub3A_18 = vector.broadcast %div3A_10 : vector<2048x1xf32> to vector<2048x64xf32>
    %sub3A_19 = arith.subf %get3A_1, %sub3A_18 : vector<2048x64xf32>
    %add3A = arith.constant 9.99999974E-6 : f32
    %add3A_20 = vector.broadcast %add3A : f32 to vector<2048x1xf32>
    %add3A_21 = arith.addf %div3A_17, %add3A_20 : vector<2048x1xf32>
    %rsqrt3A = math.rsqrt %add3A_21 : vector<2048x1xf32>
    %mul3A = vector.broadcast %rsqrt3A : vector<2048x1xf32> to vector<2048x64xf32>
    %mul3A_22 = arith.mulf %sub3A_19, %mul3A : vector<2048x64xf32>
    %mul3A_23 = vector.broadcast %get3A_4 : vector<1x64xf32> to vector<2048x64xf32>
    %mul3A_24 = arith.mulf %mul3A_22, %mul3A_23 : vector<2048x64xf32>
    %add3A_25 = vector.broadcast %get3A_7 : vector<1x64xf32> to vector<2048x64xf32>
    %add3A_26 = arith.addf %mul3A_24, %add3A_25 : vector<2048x64xf32>
    %add3A_27 = arith.addf %add3A_26, %add3A_26 : vector<2048x64xf32>
    %get3A_28 = arith.constant 0 : index
    %get3A_29 = arith.constant 0 : index
    %get3A_30 = vector.load %arg5[%get3A_28, %get3A_29] : memref<1x64xf32, #tpu.memory_space<vmem>>, vector<1x64xf32>
    %get3A_31 = arith.constant 0 : index
    %get3A_32 = arith.constant 0 : index
    %get3A_33 = vector.load %arg6[%get3A_31, %get3A_32] : memref<1x64xf32, #tpu.memory_space<vmem>>, vector<1x64xf32>
    %reduce_sum3A_34 = arith.constant dense<0.000000e+00> : vector<2048xf32>
    %reduce_sum3A_35 = vector.multi_reduction <add>, %add3A_27, %reduce_sum3A_34 [1] : vector<2048x64xf32> to vector<2048xf32>
    %broadcast_in_dim3A_36 = vector.shape_cast %reduce_sum3A_35 : vector<2048xf32> to vector<2048x1xf32>
    %div3A_37 = arith.constant 6.400000e+01 : f32
    %div3A_38 = vector.broadcast %div3A_37 : f32 to vector<2048x1xf32>
    %div3A_39 = arith.divf %broadcast_in_dim3A_36, %div3A_38 : vector<2048x1xf32>
    %sub3A_40 = vector.broadcast %div3A_39 : vector<2048x1xf32> to vector<2048x64xf32>
    %sub3A_41 = arith.subf %add3A_27, %sub3A_40 : vector<2048x64xf32>
    %integer_pow3A_42 = arith.mulf %sub3A_41, %sub3A_41 : vector<2048x64xf32>
    %reduce_sum3A_43 = arith.constant dense<0.000000e+00> : vector<2048xf32>
    %reduce_sum3A_44 = vector.multi_reduction <add>, %integer_pow3A_42, %reduce_sum3A_43 [1] : vector<2048x64xf32> to vector<2048xf32>
    %broadcast_in_dim3A_45 = vector.shape_cast %reduce_sum3A_44 : vector<2048xf32> to vector<2048x1xf32>
    %div3A_46 = arith.constant 6.400000e+01 : f32
    %div3A_47 = vector.broadcast %div3A_46 : f32 to vector<2048x1xf32>
    %div3A_48 = arith.divf %broadcast_in_dim3A_45, %div3A_47 : vector<2048x1xf32>
    %sub3A_49 = vector.broadcast %div3A_39 : vector<2048x1xf32> to vector<2048x64xf32>
    %sub3A_50 = arith.subf %add3A_27, %sub3A_49 : vector<2048x64xf32>
    %add3A_51 = arith.constant 9.99999974E-6 : f32
    %add3A_52 = vector.broadcast %add3A_51 : f32 to vector<2048x1xf32>
    %add3A_53 = arith.addf %div3A_48, %add3A_52 : vector<2048x1xf32>
    %rsqrt3A_54 = math.rsqrt %add3A_53 : vector<2048x1xf32>
    %mul3A_55 = vector.broadcast %rsqrt3A_54 : vector<2048x1xf32> to vector<2048x64xf32>
    %mul3A_56 = arith.mulf %sub3A_50, %mul3A_55 : vector<2048x64xf32>
    %mul3A_57 = vector.broadcast %get3A_30 : vector<1x64xf32> to vector<2048x64xf32>
    %mul3A_58 = arith.mulf %mul3A_56, %mul3A_57 : vector<2048x64xf32>
    %add3A_59 = vector.broadcast %get3A_33 : vector<1x64xf32> to vector<2048x64xf32>
    %add3A_60 = arith.addf %mul3A_58, %add3A_59 : vector<2048x64xf32>
    %swap3A = arith.constant 0 : index
    %swap3A_61 = arith.constant 0 : index
    %swap3A_62 = vector.load %arg7[%swap3A, %swap3A_61] : memref<2048x64xf32, #tpu.memory_space<vmem>>, vector<2048x64xf32>
    tpu.vector_store %arg7[%swap3A, %swap3A_61], %add3A_60 {strides = array<i32>} : memref<2048x64xf32, #tpu.memory_space<vmem>>, vector<2048x64xf32>,
    %mul3A_63 = arith.mulf %add3A_60, %add3A_60 : vector<2048x64xf32>
    %reduce_sum3A_64 = arith.constant dense<0.000000e+00> : vector<2048xf32>
    %reduce_sum3A_65 = vector.multi_reduction <add>, %mul3A_63, %reduce_sum3A_64 [1] : vector<2048x64xf32> to vector<2048xf32>
    %broadcast_in_dim3A_66 = vector.shape_cast %reduce_sum3A_65 : vector<2048xf32> to vector<2048x1xf32>
    %max3A = arith.constant 1.000000e-16 : f32
    %max3A_67 = vector.broadcast %max3A : f32 to vector<2048x1xf32>
    %max3A_68 = arith.maximumf %broadcast_in_dim3A_66, %max3A_67 : vector<2048x1xf32>
    %rsqrt3A_69 = math.rsqrt %max3A_68 : vector<2048x1xf32>
    %mul3A_70 = vector.broadcast %rsqrt3A_69 : vector<2048x1xf32> to vector<2048x64xf32>
    %mul3A_71 = arith.mulf %add3A_60, %mul3A_70 : vector<2048x64xf32>
    %swap3A_72 = arith.constant 0 : index
    %swap3A_73 = arith.constant 0 : index
    %swap3A_74 = vector.load %arg8[%swap3A_72, %swap3A_73] : memref<2048x128xf32, #tpu.memory_space<vmem>>, vector<2048x64xf32>
    tpu.vector_store %arg8[%swap3A_72, %swap3A_73], %mul3A_71 {strides = array<i32>} : memref<2048x128xf32, #tpu.memory_space<vmem>>, vector<2048x64xf32>,
    %broadcast_in_dim3A_75 = arith.constant 0.000000e+00 : f32
    %broadcast_in_dim3A_76 = vector.broadcast %broadcast_in_dim3A_75 : f32 to vector<2048x64xf32>
    %swap3A_77 = arith.constant 0 : index
    %swap3A_78 = arith.constant 64 : index
    %swap3A_79 = vector.load %arg8[%swap3A_77, %swap3A_78] : memref<2048x128xf32, #tpu.memory_space<vmem>>, vector<2048x64xf32>
    tpu.vector_store %arg8[%swap3A_77, %swap3A_78], %broadcast_in_dim3A_76 {strides = array<i32>} : memref<2048x128xf32, #tpu.memory_space<vmem>>, vector<2048x64xf32>,
    %get3A_80 = arith.constant 0 : index
    %get3A_81 = arith.constant 0 : index
    %get3A_82 = vector.load %arg1[%get3A_80, %get3A_81] : memref<2048x8xf32, #tpu.memory_space<vmem>>, vector<2048x8xf32>
    %get3A_83 = arith.constant 0 : index
    %get3A_84 = arith.constant 0 : index
    %get3A_85 = vector.load %arg2[%get3A_83, %get3A_84] : memref<8x2048xf32, #tpu.memory_space<vmem>>, vector<8x2048xf32>
    %dot_general3A = arith.constant dense<0.000000e+00> : vector<2048x2048xf32>
    %dot_general3A_86 = tpu.matmul %get3A_82, %get3A_85, %dot_general3A {dimension_numbers = #tpu.dot_dimension_numbers<[1], [0], [0], [1], [0, 0, 1, 1], [], []>, transpose_lhs_hint = false} : vector<2048x8xf32>, vector<8x2048xf32>, vector<2048x2048xf32> -> vector<2048x2048xf32>
    %mul3A_87 = arith.mulf %get3A_82, %get3A_82 : vector<2048x8xf32>
    %reduce_sum3A_88 = arith.constant dense<0.000000e+00> : vector<2048xf32>
    %reduce_sum3A_89 = vector.multi_reduction <add>, %mul3A_87, %reduce_sum3A_88 [1] : vector<2048x8xf32> to vector<2048xf32>
    %broadcast_in_dim3A_90 = vector.shape_cast %reduce_sum3A_89 : vector<2048xf32> to vector<2048x1xf32>
    %mul3A_91 = arith.mulf %get3A_85, %get3A_85 : vector<8x2048xf32>
    %reduce_sum3A_92 = arith.constant dense<0.000000e+00> : vector<2048xf32>
    %reduce_sum3A_93 = vector.multi_reduction <add>, %mul3A_91, %reduce_sum3A_92 [0] : vector<8x2048xf32> to vector<2048xf32>
    %broadcast_in_dim3A_94 = vector.shape_cast %reduce_sum3A_93 : vector<2048xf32> to vector<1x2048xf32>
    %add3A_95 = vector.broadcast %broadcast_in_dim3A_90 : vector<2048x1xf32> to vector<2048x2048xf32>
    %add3A_96 = vector.broadcast %broadcast_in_dim3A_94 : vector<1x2048xf32> to vector<2048x2048xf32>
    %add3A_97 = arith.addf %add3A_95, %add3A_96 : vector<2048x2048xf32>
    %mul3A_98 = arith.constant 2.000000e+00 : f32
    %mul3A_99 = vector.broadcast %mul3A_98 : f32 to vector<2048x2048xf32>
    %mul3A_100 = arith.mulf %mul3A_99, %dot_general3A_86 : vector<2048x2048xf32>
    %sub3A_101 = arith.subf %add3A_97, %mul3A_100 : vector<2048x2048xf32>
    %iota3A = tpu.iota {dimensions = array<i32: 0>} : vector<2048x2048xi32>
    %iota3A_102 = tpu.iota {dimensions = array<i32: 1>} : vector<2048x2048xi32>
    %eq3A = arith.cmpi eq, %iota3A, %iota3A_102 : vector<2048x2048xi32>
    %jit3A = arith.constant 3.400000e+38 : f32
    %broadcast_in_dim3A_103 = vector.broadcast %jit3A : f32 to vector<2048x2048xf32>
    %select_n3A = arith.select %eq3A, %broadcast_in_dim3A_103, %sub3A_101 : vector<2048x2048xi1>, vector<2048x2048xf32>
    %reduce_min3A = arith.constant dense<0x7F800000> : vector<2048xf32>
    %reduce_min3A_104 = vector.multi_reduction <minimumf>, %select_n3A, %reduce_min3A [1] : vector<2048x2048xf32> to vector<2048xf32>
    %broadcast_in_dim3A_105 = vector.shape_cast %reduce_min3A_104 : vector<2048xf32> to vector<2048x1xf32>
    %eq3A_106 = vector.broadcast %broadcast_in_dim3A_105 : vector<2048x1xf32> to vector<2048x2048xf32>
    %eq3A_107 = arith.cmpf oeq, %select_n3A, %eq3A_106 : vector<2048x2048xf32>
    %jit3A_108 = arith.constant 2048 : i32
    %broadcast_in_dim3A_109 = vector.broadcast %jit3A_108 : i32 to vector<2048x2048xi32>
    %select_n3A_110 = arith.select %eq3A_107, %iota3A_102, %broadcast_in_dim3A_109 : vector<2048x2048xi1>, vector<2048x2048xi32>
    %reduce_min3A_111 = arith.constant dense<2147483647> : vector<2048xi32>
    %reduce_min3A_112 = vector.multi_reduction <minsi>, %select_n3A_110, %reduce_min3A_111 [1] : vector<2048x2048xi32> to vector<2048xi32>
    %broadcast_in_dim3A_113 = vector.shape_cast %reduce_min3A_112 : vector<2048xi32> to vector<2048x1xi32>
    %swap3A_114 = arith.constant 0 : index
    %swap3A_115 = arith.constant 0 : index
    %swap3A_116 = vector.load %arg9[%swap3A_114, %swap3A_115] : memref<2048x1xi32, #tpu.memory_space<vmem>>, vector<2048x1xi32>
    tpu.vector_store %arg9[%swap3A_114, %swap3A_115], %broadcast_in_dim3A_113 {strides = array<i32>} : memref<2048x1xi32, #tpu.memory_space<vmem>>, vector<2048x1xi32>,
    %eq3A_117 = vector.broadcast %broadcast_in_dim3A_113 : vector<2048x1xi32> to vector<2048x2048xi32>
    %eq3A_118 = arith.cmpi eq, %iota3A_102, %eq3A_117 : vector<2048x2048xi32>
    %jit3A_119 = arith.constant 3.400000e+38 : f32
    %broadcast_in_dim3A_120 = vector.broadcast %jit3A_119 : f32 to vector<2048x2048xf32>
    %select_n3A_121 = arith.select %eq3A_118, %broadcast_in_dim3A_120, %select_n3A : vector<2048x2048xi1>, vector<2048x2048xf32>
    %reduce_min3A_122 = arith.constant dense<0x7F800000> : vector<2048xf32>
    %reduce_min3A_123 = vector.multi_reduction <minimumf>, %select_n3A_121, %reduce_min3A_122 [1] : vector<2048x2048xf32> to vector<2048xf32>
    %broadcast_in_dim3A_124 = vector.shape_cast %reduce_min3A_123 : vector<2048xf32> to vector<2048x1xf32>
    %eq3A_125 = vector.broadcast %broadcast_in_dim3A_124 : vector<2048x1xf32> to vector<2048x2048xf32>
    %eq3A_126 = arith.cmpf oeq, %select_n3A_121, %eq3A_125 : vector<2048x2048xf32>
    %jit3A_127 = arith.constant 2048 : i32
    %broadcast_in_dim3A_128 = vector.broadcast %jit3A_127 : i32 to vector<2048x2048xi32>
    %select_n3A_129 = arith.select %eq3A_126, %iota3A_102, %broadcast_in_dim3A_128 : vector<2048x2048xi1>, vector<2048x2048xi32>
    %reduce_min3A_130 = arith.constant dense<2147483647> : vector<2048xi32>
    %reduce_min3A_131 = vector.multi_reduction <minsi>, %select_n3A_129, %reduce_min3A_130 [1] : vector<2048x2048xi32> to vector<2048xi32>
    %broadcast_in_dim3A_132 = vector.shape_cast %reduce_min3A_131 : vector<2048xi32> to vector<2048x1xi32>
    %swap3A_133 = arith.constant 0 : index
    %swap3A_134 = arith.constant 0 : index
    %swap3A_135 = vector.load %arg10[%swap3A_133, %swap3A_134] : memref<2048x1xi32, #tpu.memory_space<vmem>>, vector<2048x1xi32>
    tpu.vector_store %arg10[%swap3A_133, %swap3A_134], %broadcast_in_dim3A_132 {strides = array<i32>} : memref<2048x1xi32, #tpu.memory_space<vmem>>, vector<2048x1xi32>,
    %eq3A_136 = vector.broadcast %broadcast_in_dim3A_132 : vector<2048x1xi32> to vector<2048x2048xi32>
    %eq3A_137 = arith.cmpi eq, %iota3A_102, %eq3A_136 : vector<2048x2048xi32>
    %jit3A_138 = arith.constant 3.400000e+38 : f32
    %broadcast_in_dim3A_139 = vector.broadcast %jit3A_138 : f32 to vector<2048x2048xf32>
    %select_n3A_140 = arith.select %eq3A_137, %broadcast_in_dim3A_139, %select_n3A_121 : vector<2048x2048xi1>, vector<2048x2048xf32>
    %reduce_min3A_141 = arith.constant dense<0x7F800000> : vector<2048xf32>
    %reduce_min3A_142 = vector.multi_reduction <minimumf>, %select_n3A_140, %reduce_min3A_141 [1] : vector<2048x2048xf32> to vector<2048xf32>
    %broadcast_in_dim3A_143 = vector.shape_cast %reduce_min3A_142 : vector<2048xf32> to vector<2048x1xf32>
    %eq3A_144 = vector.broadcast %broadcast_in_dim3A_143 : vector<2048x1xf32> to vector<2048x2048xf32>
    %eq3A_145 = arith.cmpf oeq, %select_n3A_140, %eq3A_144 : vector<2048x2048xf32>
    %jit3A_146 = arith.constant 2048 : i32
    %broadcast_in_dim3A_147 = vector.broadcast %jit3A_146 : i32 to vector<2048x2048xi32>
    %select_n3A_148 = arith.select %eq3A_145, %iota3A_102, %broadcast_in_dim3A_147 : vector<2048x2048xi1>, vector<2048x2048xi32>
    %reduce_min3A_149 = arith.constant dense<2147483647> : vector<2048xi32>
    %reduce_min3A_150 = vector.multi_reduction <minsi>, %select_n3A_148, %reduce_min3A_149 [1] : vector<2048x2048xi32> to vector<2048xi32>
    %broadcast_in_dim3A_151 = vector.shape_cast %reduce_min3A_150 : vector<2048xi32> to vector<2048x1xi32>
    %swap3A_152 = arith.constant 0 : index
    %swap3A_153 = arith.constant 0 : index
    %swap3A_154 = vector.load %arg11[%swap3A_152, %swap3A_153] : memref<2048x1xi32, #tpu.memory_space<vmem>>, vector<2048x1xi32>
    tpu.vector_store %arg11[%swap3A_152, %swap3A_153], %broadcast_in_dim3A_151 {strides = array<i32>} : memref<2048x1xi32, #tpu.memory_space<vmem>>, vector<2048x1xi32>,
    return
  }
}

</mosaic_0001>

<sc_bundles>
// kernel: kernel.4.cloned.1.call-start
scs
__scs_entry_jumppad:
0x0: {  	(pc) =	sbr.rel $0x88, $3  }
0x1: {  	(tag) =	ssettag $0x0;
	lr =	simm.s32 $0x1  }
0x2: {  	[smem:$0x3F9B] =	sst lr;
	_ =	strace $0xD0000000  }
0x3: {  	_ = 	snop  }
0x4: {  	_ = 	snop  }
0x5: {  	_ = 	snop  }
0x6: {  	_ = 	snop  }
0x7: {  	_ = 	snop  }
__scs_overlays_trampoline_lowered:
0x8: {  	[smem:$0x3FAA] =	sst s0  }
0x9: {  	[smem:$0x3FAB] =	sst s1  }
0xa: {  	[smem:$0x3FAC] =	sst s2  }
0xb: {  	[smem:$0x3FAD] =	sst s3  }
0xc: {  	[smem:$0x3FAE] =	sst s4  }
0xd: {  	[smem:$0x3FAF] =	sst s5  }
0xe: {  	[smem:$0x3FB0] =	sst s6  }
0xf: {  	[smem:$0x3FB1] =	sst s7  }
0x10: {  	[smem:$0x3FB2] =	sst s8  }
0x11: {  	[smem:$0x3FB3] =	sst s9;
	s0 =	simm.s32 @!p0 $0x0  }
0x12: {  	s1 =	sld [smem:$0x3F99];
	s0 =	simm.s32 @p0 $0x1  }
0x13: {  	[smem:$0x3FB4] =	sst s0;
	s0 =	simm.s32 @!p1 $0x0  }
0x14: {  	s2 =	sld [smem:$0x3F98];
	s0 =	simm.s32 @p1 $0x1  }
0x15: {  	[smem:$0x3FB5] =	sst s0;
	s0 =	simm.s32 @!p2 $0x0  }
0x16: {  	s3 =	sld [smem:$0x3FDB];
	s0 =	simm.s32 @p2 $0x1  }
0x17: {  	s4 =	simm.s32 $0x1BF5;
	[smem:$0x3FB7] =	sst s0  }
0x18: {  	s0 =	sld [smem:$0x3F9A];
	_ =	swait.ge [sflag:s4], $0x0  }
0x19: {  	s7 =	sld [smem:$0x3F9B]  }
0x1a: {  	s8 =	sadd.s32 $0xFFFFE003, lr  }
0x1b: {  	s9 =	sadd.s32 $0xFFFFFEF7, lr;
	s5 =	simm.s32 $0xFFFFFFFF;
	p2 =	slt.u32 s8, $0xFFFFF086  }
0x1c: {  	p1 =	slt.u32 s9, $0xF7A;
	s5 =	simm.s32 @!p2 $0x0  }
0x1d: {  	s5 =	simm.s32 @p1 $0x1;
	p0 =	seq.s32 s7, s2  }
0x1e: {  	s7 =	smul.u32 @!p0 $0xF7A, s2;
	p2 =	seq.s32 @!p0 s5, $0x0  }
0x1f: {  	s9 =	smul.u32 $0xF7A, s1;
	s8 =	simm.s32 @!p0 $0x1BF5;
	p2 =	por !p2, p0  }
0x20: {  	[sflag:s8] =	ssyncset.s32 @!p0 $0xFFFFF086;
	s6 =	sadd.s32 @!p0 s3, s7;
	s7 =	simm.s32 @!p0 $0x108  }
0x21: {  	s3 =	sadd.s32 s3, s9;
	s6 =	sadd.s32 @!p0 $0x88, s6;
	s7 =	simm.s32 @p2 $0x1082  }
0x22: {  	[simem:s7], [sflag:s8] =	dma.local @!p0 [hbm:s6], $0xF7A  }
0x23: {  	s9 =	sor.u32 $0xD0000000, s2;
	s6 =	simm.s32 $0x108;
	_ =	swait.ge @!p0 [sflag:s8], $0x0  }
0x24: {  	s3 =	sadd.s32 $0x88, s3;
	s6 =	simm.s32 @!p1 $0x1082;
	[sflag:s4] =	ssyncset.s32 $0xFFFFF086  }
0x25: {  	[simem:s6], [sflag:s4] =	dma.local [hbm:s3], $0xF7A  }
0x26: {  	[smem:$0x3F9B] =	sst s1;
	(tag) =	ssettag s2;
	_ =	strace s9  }
0x27: {  	s1 =	sld [smem:$0x3FAB]  }
0x28: {  	s2 =	sld [smem:$0x3FAC]  }
0x29: {  	s4 =	sld [smem:$0x3FAE]  }
0x2a: {  	p0 =	seq.s32 s5, $0x0;
	s5 =	sld [smem:$0x3FAF]  }
0x2b: {  	s6 =	sld [smem:$0x3FB0]  }
0x2c: {  	s7 =	sld [smem:$0x3FB1]  }
0x2d: {  	s3 =	simm.s32 $0x108;
	s8 =	sld [smem:$0x3FB2]  }
0x2e: {  	s3 =	simm.s32 @!p0 $0x1082;
	s9 =	sld [smem:$0x3FB3]  }
0x2f: {  	lr =	sadd.s32 s0, s3;
	s0 =	sld [smem:$0x3FAA]  }
0x30: {  	s3 =	sld [smem:$0x3FAD]  }
0x31: {  	[smem:$0x3FB6] =	sst s10  }
0x32: {  	s10 =	sld [smem:$0x3FB4];
	_ =	sdelay $0x3  }
0x33: {  	p0 =	seq.s32 s10, $0x1;
	s10 =	sld [smem:$0x3FB6];
	_ =	sdelay $0x3  }
0x34: {  	[smem:$0x3FB6] =	sst s10  }
0x35: {  	s10 =	sld [smem:$0x3FB5];
	_ =	sdelay $0x3  }
0x36: {  	p1 =	seq.s32 s10, $0x1;
	s10 =	sld [smem:$0x3FB6];
	_ =	sdelay $0x3  }
0x37: {  	[smem:$0x3FB6] =	sst s10  }
0x38: {  	s10 =	sld [smem:$0x3FB7]  }
0x39: {  	_ = 	snop;
	(pc) =	sbr.ind lr, $3  }
0x3a: {  	_ = 	snop  }
0x3b: {  	_ = 	snop  }
0x3c: {  	p2 =	seq.s32 s10, $0x1;
	s10 =	sld [smem:$0x3FB6]  }
0x3d: {  	_ =	shalt  }
0x3e: {  	_ =	shalt  }
0x3f: {  	_ =	shalt  }
0x40: {  	_ =	shalt  }
0x41: {  	_ =	shalt  }
0x42: {  	_ =	shalt  }
0x43: {  	_ =	shalt  }
0x44: {  	_ =	shalt  }
0x45: {  	_ =	shalt  }
0x46: {  	_ =	shalt  }
0x47: {  	_ =	shalt  }
0x48: {  	_ =	shalt  }
0x49: {  	_ =	shalt  }
0x4a: {  	_ =	shalt  }
0x4b: {  	_ =	shalt  }
0x4c: {  	_ =	shalt  }
0x4d: {  	_ =	shalt  }
0x4e: {  	_ =	shalt  }
0x4f: {  	_ =	shalt  }
0x50: {  	_ =	shalt  }
0x51: {  	_ =	shalt  }
0x52: {  	_ =	shalt  }
0x53: {  	_ =	shalt  }
0x54: {  	_ =	shalt  }
0x55: {  	_ =	shalt  }
0x56: {  	_ =	shalt  }
0x57: {  	_ =	shalt  }
0x58: {  	_ =	shalt  }
0x59: {  	_ =	shalt  }
0x5a: {  	_ =	shalt  }
0x5b: {  	_ =	shalt  }
0x5c: {  	_ =	shalt  }
0x5d: {  	_ =	shalt  }
0x5e: {  	_ =	shalt  }
0x5f: {  	_ =	shalt  }
0x60: {  	_ =	shalt  }
0x61: {  	_ =	shalt  }
0x62: {  	_ =	shalt  }
0x63: {  	_ =	shalt  }
0x64: {  	_ =	shalt  }
0x65: {  	_ =	shalt  }
0x66: {  	_ =	shalt  }
0x67: {  	_ =	shalt  }
0x68: {  	_ =	shalt  }
0x69: {  	_ =	shalt  }
0x6a: {  	_ =	shalt  }
0x6b: {  	_ =	shalt  }
0x6c: {  	_ =	shalt  }
0x6d: {  	_ =	shalt  }
0x6e: {  	_ =	shalt  }
0x6f: {  	_ =	shalt  }
0x70: {  	_ =	shalt  }
0x71: {  	_ =	shalt  }
0x72: {  	_ =	shalt  }
0x73: {  	_ =	shalt  }
0x74: {  	_ =	shalt  }
0x75: {  	_ =	shalt  }
0x76: {  	_ =	shalt  }
0x77: {  	_ =	shalt  }
0x78: {  	_ =	shalt  }
0x79: {  	_ =	shalt  }
0x7a: {  	_ =	shalt  }
0x7b: {  	_ =	shalt  }
0x7c: {  	_ =	shalt  }
0x7d: {  	_ =	shalt  }
0x7e: {  	_ =	shalt  }
0x7f: {  	_ =	shalt  }
0x80: {  	_ =	shalt  }
0x81: {  	_ =	shalt  }
0x82: {  	_ =	shalt  }
0x83: {  	_ =	shalt  }
0x84: {  	_ =	shalt  }
0x85: {  	_ =	shalt  }
0x86: {  	_ =	shalt  }
0x87: {  	_ =	shalt  }
.Lfunc_end0:
.L_simem_size_0:
called_computation_lowered:
.L_overlay_start_0:
0x88: {  	s2 =	sld [smem:$0x3FD9]  }
0x89: {  	s3 =	sld [smem:$0x3FFE];
	_ =	sdelay $0x1  }
0x8a: {  	s1 =	srdreg.scid  }
0x8b: {  	s0 =	sand.u32 $0x1, s1  }
0x8c: {  	s17 =	sshll.u32 s0, $0xA;
	s2 =	sadd.s32 s3, s2  }
0x8d: {  	s2 =	sadd.s32 s2, s17  }
0x8e: {  	[smem:$0x3FC2] =	sst s2  }
0x8f: {  	_ = 	snop  }
0x90: {  	s2 =	sld [smem:$0x3FD0];
	(tm) =	ssettm $0x1  }
0x91: {  	s18 =	sld [smem:$0x3FFB];
	_ =	sdelay $0x3  }
0x92: {  	_ =	strace s18  }
0x93: {  	s3 =	sld [smem:$0x3FFC];
	_ =	sdelay $0x3  }
0x94: {  	_ =	strace s3  }
0x95: {  	s3 =	sld [smem:$0x3FFD];
	_ =	sdelay $0x3  }
0x96: {  	_ =	strace s3  }
0x97: {  	_ =	strace $0x8FFFFFFF  }
0x98: {  	s19 =	sld [smem:$0x3FDB];
	_ =	sdelay $0x1  }
0x99: {  	s4 =	simm.s32 $_scs_section_size  }
0x9a: {  	s5 =	simm.s32 $_size__tile_overlayer_lowered;
	s6 =	simm.s32 $_tile_overlayer_lowered  }
0x9b: {  	s22 =	simm.s32 $0x1BFF;
	s21 =	sshll.u32 s6, $0x1;
	s3 =	sadd.s32 s4, s19  }
0x9c: {  	s7 =	simm.s32 $0x0;
	s20 =	sshll.u32 s5, $0x1;
	s5 =	sadd.s32 s21, s3  }
0x9d: {  	[timem:s7], [sflag:s22] =	dma.local [hbm:s5], s20  }
0x9e: {  	_ =	swait.ge [sflag:s22], s20  }
0x9f: {  	s4 =	ssub.s32 $0x0, s20;
	[sflag:s22] =	ssyncset.done $0x0  }
0xa0: {  	[sflag:s22] =	ssyncadd.s32 s4;
	_ =	sdelay $0x1  }
0xa1: {  	s23 =	simm.s32 $0x1B8B  }
0xa2: {  	_ =	swait.ge [sflag:s23], $0x1  }
0xa3: {  	[sflag:s23] =	ssyncset.done $0x0  }
0xa4: {  	s25 =	simm.s32 $0x1B8E;
	s24 =	sld [smem:$0x3FFE];
	[sflag:s23] =	ssyncadd.s32 $0xFFFFFFFF  }
0xa5: {  	s26 =	simm.s32 $execute0_lowered;
	[smem:$0x3FD2] =	sst s25  }
0xa6: {  	s5 =	sshll.u32 s26, $0x1;
	_ =	strace $0x80000046;
	[dreg:$0x1] =	wrdreg $0xFFFFFFFF  }
0xa7: {  	s28 =	simm.s32 $_size_execute0_lowered;
	s3 =	sadd.s32 s3, s5;
	[dreg:$0x0] =	wrdreg $0x0  }
0xa8: {  	s5 =	sshll.u32 s28, $0x1;
	[dreg:$0x2] =	wrdreg s3  }
0xa9: {  	[dreg:$0x3] =	wrdreg s5  }
0xaa: {  	[dreg:$0x4] =	wrdreg $0xC0  }
0xab: {  	_ =	task [dreg:s7], $0x5FFFF  }
0xac: {  	[dreg:$0x1] =	wrdreg $0xFFFFFFFF  }
0xad: {  	[dreg:$0x0] =	wrdreg $0x60  }
0xae: {  	[dreg:$0x2] =	wrdreg s24  }
0xaf: {  	[dreg:$0x3] =	wrdreg s2  }
0xb0: {  	[dreg:$0x4] =	wrdreg $0x9  }
0xb1: {  	_ =	task.clear_ibuf [dreg:s7], $0x5FFFF;
	_ =	strace $0x90000046  }
0xb2: {  	s29 =	simm.s32 $0x9;
	_ =	strace $0x80000048  }
0xb3: {  	_ =	swait.ge [sflag:s29], $0x1  }
0xb4: {  	[sflag:s29] =	ssyncadd.s32 $0xFFFFFFFF  }
0xb5: {  	_ =	strace $0x90000048  }
0xb6: {  	_ =	sfence  }
0xb7: {  	s30 =	sld [smem:$0x0];
	_ =	sdelay $0x2  }
0xb8: {  	s31 =	sshll.u32 s1, $0xD;
	s1 =	sshrl.u32 s1, $0x2  }
0xb9: {  	s3 =	sand.u32 $0x4000, s31;
	s1 =	sadd.s32 s1, s30  }
0xba: {  	s0 =	sor.u32 s3, s0;
	s1 =	sshll.u32 s1, $0x11  }
0xbb: {  	s0 =	sor.u32 s1, s0  }
0xbc: {  	s0 =	sadd.s32 $0x8F2B, s0  }
0xbd: {  	[sflag:s0] =	ssyncadd.remote.s32 $0x1  }
0xbe: {  	_ =	sfence.sel $0xFFFF  }
0xbf: {  	[dreg:$0x0] =	wrdreg $0xFFFFFFFF;
	(pc) =	sbr.abs _section_cstart, $3  }
0xc0: {  	[dreg:$0x1] =	wrdreg $0xFFFFFFFF  }
0xc1: {  	_ =	task.clear_ibuf [dreg:s7], $0x2FFFF;
	_ =	strace $0x9FFFFFFF  }
0xc2: {  	(tm) =	ssettm $0x7FFFFFFF  }
0xc3: {  	_ =	shalt  }
tec
execute0_lowered:
.L_overlay_start_1:
0x0: {  	(tag) =	ssettag $0x1  }
0x1: {  	s1 =	srdreg.scid  }
0x2: {  	s0 =	stileid.u32;
	s13 =	sand.u32 $0x1, s1  }
0x3: {  	s2 =	rddreg [dreg:$0x0];
	s31 =	sshll.u32 s0, $0x7;
	s3 =	sshll.u32 s13, $0x6  }
0x4: {  	s9 =	rddreg [dreg:$0x1];
	s10 =	sor.u32 s3, s31  }
0x5: {  	s1 =	rddreg [dreg:$0x2];
	s3 =	simm.s32 $0x0;
	s4 =	sshrl.u32 s10, $0x3  }
0x6: {  	[smem:$0x7FF] =	sst s3;
	s12 =	sadd.s32 s4, s2  }
0x7: {  	_ =	strace $0x80000047;
	s4 =	simm.s32 $0x2;
	s5 =	sadd.s32 $0x8200, s12  }
0x8: {  	[tilespmem:s3], [sflag:$0x2] =	stream.linear.gather [hbm4b:s5+s3], $0x40, $0x38;
	[tilespmem:$0x2080] =	vst v63  }
0x9: {  	_ =	swait.ge [sflag:s4], $0x40  }
0xa: {  	s6 =	simm.s32 $0x40;
	[sflag:s4] =	ssyncset.done $0x0  }
0xb: {  	s7 =	simm.s32 $0x80;
	s8 =	simm.s32 $0x1;
	[sflag:s4] =	ssyncadd.s32 $0xFFFFFFC0  }
0xc: {  	[tilespmem:s7], [sflag:$0x1] =	stream.indirect.gather [hbm4b:s2+s6], $0x80, s3, s6, $0xb8;
	[tilespmem:$0x2080] =	vst v63  }
0xd: {  	_ =	swait.ge [sflag:s8], $0x2000  }
0xe: {  	s10 =	sshll.u32 s10, $0x4;
	[sflag:s8] =	ssyncset.done $0x0  }
0xf: {  	s9 =	sadd.s32 s9, s10;
	[sflag:s8] =	ssyncadd.s32 $0xFFFFE000  }
0x10: {  	[hbm4b:s9+s3] =	stream.linear.scatter [tilespmem:s7], [sflag:$0x2], $0x2000, $0x38;
	[tilespmem:$0x2080] =	vst v63  }
0x11: {  	_ =	swait.ge [sflag:s4], $0x2000  }
0x12: {  	[sflag:s4] =	ssyncset.done $0x0  }
0x13: {  	s10 =	sadd.s32 $0x8400, s12;
	[sflag:s4] =	ssyncadd.s32 $0xFFFFE000  }
0x14: {  	[tilespmem:s3], [sflag:$0x2] =	stream.linear.gather [hbm4b:s10+s3], $0x40, $0x38;
	[tilespmem:$0x2080] =	vst v63  }
0x15: {  	_ =	swait.ge [sflag:s4], $0x40  }
0x16: {  	[sflag:s4] =	ssyncset.done $0x0  }
0x17: {  	[sflag:s4] =	ssyncadd.s32 $0xFFFFFFC0  }
0x18: {  	[tilespmem:s7], [sflag:$0x1] =	stream.indirect.gather [hbm4b:s2+s6], $0x80, s3, s6, $0xb8;
	[tilespmem:$0x2080] =	vst v63  }
0x19: {  	_ =	swait.ge [sflag:s8], $0x2000  }
0x1a: {  	[sflag:s8] =	ssyncset.done $0x0  }
0x1b: {  	s11 =	sadd.s32 $0x8000, s9;
	[sflag:s8] =	ssyncadd.s32 $0xFFFFE000  }
0x1c: {  	[hbm4b:s11+s3] =	stream.linear.scatter [tilespmem:s7], [sflag:$0x2], $0x2000, $0x38;
	[tilespmem:$0x2080] =	vst v63  }
0x1d: {  	_ =	swait.ge [sflag:s4], $0x2000  }
0x1e: {  	[sflag:s4] =	ssyncset.done $0x0  }
0x1f: {  	s13 =	ssub.s32 $0x2, s13;
	s12 =	sadd.s32 $0x8000, s12;
	[sflag:s4] =	ssyncadd.s32 $0xFFFFE000  }
0x20: {  	[tilespmem:s3], [sflag:$0x2] =	stream.linear.gather [hbm4b:s12+s3], $0x40, $0x38;
	[tilespmem:$0x2080] =	vst v63  }
0x21: {  	s14 =	sshrl.u32 s13, $0x1;
	_ =	swait.ge [sflag:s4], $0x40  }
0x22: {  	s14 =	ssub.s32 s13, s14;
	[sflag:s4] =	ssyncset.done $0x0  }
0x23: {  	s14 =	smax.u32 s14, $0x1;
	[sflag:s4] =	ssyncadd.s32 $0xFFFFFFC0  }
0x24: {  	[tilespmem:s7], [sflag:$0x1] =	stream.indirect.gather [hbm4b:s2+s6], $0x80, s3, s6, $0xb8;
	[tilespmem:$0x2080] =	vst v63  }
0x25: {  	p0 =	sne.s32 s14, $0x1;
	_ =	swait.ge [sflag:s8], $0x2000  }
.Ltmp0:
0x26: {  	[sflag:s8] =	ssyncset.done $0x0;
	(pc) =	sbr.rel @!p0 .LBB2_2-.Ltmp0, $4  }
0x27: {  	s13 =	sadd.s32 $0x10000, s9;
	[sflag:s8] =	ssyncadd.s32 $0xFFFFE000  }
0x28: {  	[hbm4b:s13+s3] =	stream.linear.scatter [tilespmem:s7], [sflag:$0x2], $0x2000, $0x38;
	[tilespmem:$0x2080] =	vst v63  }
0x29: {  	_ =	swait.ge [sflag:s4], $0x2000  }
0x2a: {  	s14 =	sadd.s32 $0xFFFFFFFF, s14;
	[sflag:s4] =	ssyncset.done $0x0  }
.LBB2_1:
0x2b: {  	p0 =	sne.s32 s14, $0x1;
	s14 =	sadd.s32 $0xFFFFFFFF, s14;
	[sflag:s4] =	ssyncadd.s32 $0xFFFFE000  }
0x2c: {  	[tilespmem:s3], [sflag:$0x2] =	stream.linear.gather [hbm4b:s5+s3], $0x40, $0x38;
	[tilespmem:$0x2080] =	vst v63  }
0x2d: {  	_ =	swait.ge [sflag:s4], $0x40  }
0x2e: {  	[sflag:s4] =	ssyncset.done $0x0  }
0x2f: {  	[sflag:s4] =	ssyncadd.s32 $0xFFFFFFC0  }
0x30: {  	[tilespmem:s7], [sflag:$0x1] =	stream.indirect.gather [hbm4b:s2+s6], $0x80, s3, s6, $0xb8;
	[tilespmem:$0x2080] =	vst v63  }
0x31: {  	_ =	swait.ge [sflag:s8], $0x2000  }
0x32: {  	[sflag:s8] =	ssyncset.done $0x0  }
0x33: {  	[sflag:s8] =	ssyncadd.s32 $0xFFFFE000  }
0x34: {  	[hbm4b:s9+s3] =	stream.linear.scatter [tilespmem:s7], [sflag:$0x2], $0x2000, $0x38;
	[tilespmem:$0x2080] =	vst v63  }
0x35: {  	_ =	swait.ge [sflag:s4], $0x2000  }
0x36: {  	[sflag:s4] =	ssyncset.done $0x0  }
0x37: {  	[sflag:s4] =	ssyncadd.s32 $0xFFFFE000  }
0x38: {  	[tilespmem:s3], [sflag:$0x2] =	stream.linear.gather [hbm4b:s10+s3], $0x40, $0x38;
	[tilespmem:$0x2080] =	vst v63  }
0x39: {  	_ =	swait.ge [sflag:s4], $0x40  }
0x3a: {  	[sflag:s4] =	ssyncset.done $0x0  }
0x3b: {  	[sflag:s4] =	ssyncadd.s32 $0xFFFFFFC0  }
0x3c: {  	[tilespmem:s7], [sflag:$0x1] =	stream.indirect.gather [hbm4b:s2+s6], $0x80, s3, s6, $0xb8;
	[tilespmem:$0x2080] =	vst v63  }
0x3d: {  	_ =	swait.ge [sflag:s8], $0x2000  }
0x3e: {  	[sflag:s8] =	ssyncset.done $0x0  }
0x3f: {  	[sflag:s8] =	ssyncadd.s32 $0xFFFFE000  }
0x40: {  	[hbm4b:s11+s3] =	stream.linear.scatter [tilespmem:s7], [sflag:$0x2], $0x2000, $0x38;
	[tilespmem:$0x2080] =	vst v63  }
0x41: {  	_ =	swait.ge [sflag:s4], $0x2000  }
0x42: {  	[sflag:s4] =	ssyncset.done $0x0  }
0x43: {  	[sflag:s4] =	ssyncadd.s32 $0xFFFFE000  }
0x44: {  	[tilespmem:s3], [sflag:$0x2] =	stream.linear.gather [hbm4b:s12+s3], $0x40, $0x38;
	[tilespmem:$0x2080] =	vst v63  }
0x45: {  	_ =	swait.ge [sflag:s4], $0x40  }
0x46: {  	[sflag:s4] =	ssyncset.done $0x0  }
0x47: {  	[sflag:s4] =	ssyncadd.s32 $0xFFFFFFC0  }
0x48: {  	[tilespmem:s7], [sflag:$0x1] =	stream.indirect.gather [hbm4b:s2+s6], $0x80, s3, s6, $0xb8;
	[tilespmem:$0x2080] =	vst v63  }
0x49: {  	_ =	swait.ge [sflag:s8], $0x2000  }
.Ltmp1:
0x4a: {  	[sflag:s8] =	ssyncset.done $0x0;
	(pc) =	sbr.rel @p0 .LBB2_1-.Ltmp1, $4  }
0x4b: {  	[sflag:s8] =	ssyncadd.s32 $0xFFFFE000  }
0x4c: {  	[hbm4b:s13+s3] =	stream.linear.scatter [tilespmem:s7], [sflag:$0x2], $0x2000, $0x38;
	[tilespmem:$0x2080] =	vst v63  }
0x4d: {  	_ =	swait.ge [sflag:s4], $0x2000  }
0x4e: {  	[sflag:s4] =	ssyncset.done $0x0  }
.LBB2_2:
0x4f: {  	[sflag:s4] =	ssyncadd.s32 $0xFFFFE000  }
0x50: {  	_ =	sfence.sel $0x180000  }
0x51: {  	[bflag:$0x0] =	sbarrier.arrive $0xFFFF  }
0x52: {  	p0 =	sne.s32 s0, $0x0;
	_ =	strace $0x90000047  }
0x53: {  	s0 =	sadd.s32 @!p0 $0x100000, s1;
	[bflag:$0x2] =	sbarrier.arrive $0xFFFF  }
0x54: {  	[sflag:s0] =	ssyncadd.tile.s32 @!p0 $0x1;
	_ =	shalt  }
.Lfunc_end2:
_tile_overlayer_lowered:
.L_overlay_start_2:
0x55: {  	(tag) =	ssettag $0x2  }
0x56: {  	s0 =	rddreg [dreg:$0x0];
	s2 =	stileid.u32  }
0x57: {  	s1 =	rddreg [dreg:$0x1];
	p0 =	sne.s32 s2, $0x0  }
0x58: {  	s3 =	rddreg [dreg:$0x2];
	[bflag:$0x3] =	sbarrier.arrive $0xFFFF;
	s2 =	simm.s32 @!p0 $0x1C02  }
0x59: {  	[timem:s3], [sflag:s2] =	dma.local @!p0 [hbm:s0], s1  }
0x5a: {  	s0 =	simm.s32 @!p0 $0x2  }
0x5b: {  	_ =	swait.ge @!p0 [sflag:s0], s1  }
0x5c: {  	s1 =	ssub.s32 @!p0 $0x0, s1;
	[sflag:s0] =	ssyncset.done @!p0 $0x0  }
0x5d: {  	[sflag:s0] =	ssyncadd.s32 @!p0 s1  }
0x5e: {  	[bflag:$0x3] =	sbarrier.arrive $0xFFFF  }
0x5f: {  	_ =	shalt  }

</sc_bundles>
